<compile_context>
chip_gen: v7x
topology: tpu7x:2x2x1
jax: 0.10.2.dev20260603
libtpu: 0.0.44.dev20260713+nightly
codegen_flags: <defaults>
</compile_context>

<pallas_src>
import functools

import jax
import jax.numpy as jnp
from jax import lax
from jax.experimental import pallas as pl
from jax.experimental.pallas import tpu as pltpu
from jax.experimental.pallas import tpu_sc as plsc

N = 10000
E = 320000
D = 128

NC = 2
NS = 16
NW = NC * NS
K = 128
CHUNKS = -(-E // (NW * K))
EPT = CHUNKS * K
E_PAD = EPT * NW
N_PAD = 10240
RPT = N_PAD // NS


def _sc_segment_sum(x, src_p, dst_p, zrow, zdeg):
  mesh = plsc.VectorSubcoreMesh(core_axis_name="c", subcore_axis_name="s")

  @functools.partial(
      pl.kernel,
      out_type=(
          jax.ShapeDtypeStruct((NC, N_PAD, D), jnp.float32),
          jax.ShapeDtypeStruct((NC, N_PAD), jnp.float32),
      ),
      mesh=mesh,
      scratch_types=[
          pltpu.VMEM((CHUNKS, K), jnp.int32),
          pltpu.VMEM((CHUNKS, K), jnp.int32),
          pltpu.VMEM((K, D), jnp.float32),
          pltpu.VMEM((K,), jnp.float32),
          pltpu.VMEM_SHARED((N_PAD, D), jnp.float32),
          pltpu.VMEM_SHARED((N_PAD,), jnp.float32),
          pltpu.SemaphoreType.DMA,
      ],
  )
  def k(x_hbm, src_hbm, dst_hbm, zrow_hbm, zdeg_hbm, agg_out, deg_out,
        srcv, dstv, rows, ones_v, agg_s, deg_s, sem):
    cid = lax.axis_index("c")
    sid = lax.axis_index("s")
    tid = cid * NS + sid

    pltpu.sync_copy(zrow_hbm, agg_s.at[pl.ds(sid * RPT, RPT)])
    pltpu.sync_copy(zdeg_hbm, deg_s.at[pl.ds(sid * RPT, RPT)])
    for i in range(K // 16):
      ones_v[pl.ds(i * 16, 16)] = jnp.ones((16,), jnp.float32)
    pltpu.sync_copy(src_hbm.at[tid], srcv)
    pltpu.sync_copy(dst_hbm.at[tid], dstv)
    plsc.subcore_barrier()

    def chunk(j, carry):
      pltpu.async_copy(x_hbm.at[srcv.at[j]], rows, sem).wait()
      pltpu.sync_copy(rows, agg_s.at[dstv.at[j]], add=True)
      pltpu.sync_copy(ones_v, deg_s.at[dstv.at[j]], add=True)
      return carry

    lax.fori_loop(0, CHUNKS, chunk, 0)
    plsc.subcore_barrier()

    sl = pl.ds(sid * RPT, RPT)
    pltpu.sync_copy(agg_s.at[sl], agg_out.at[cid].at[sl])
    pltpu.sync_copy(deg_s.at[sl], deg_out.at[cid].at[sl])

  return k(x, src_p, dst_p, zrow, zdeg)


def _tc_stats(deg_t):

  def k(deg_ref, out_ref):
    d = deg_ref[:, 0:1] + deg_ref[:, 1:2]
    row = lax.broadcasted_iota(jnp.int32, (N_PAD, 1), 0)
    ld = jnp.where(row < N, jnp.log(1.0 + d), 0.0)
    s1 = jnp.sum(ld)
    s2 = jnp.sum(ld * ld)
    mu = s1 / N
    var = jnp.maximum(s2 / N - mu * mu, 0.0)
    sd = jnp.sqrt(var)
    sd = jnp.where(sd > 0.0, sd, 1.0)
    col = lax.broadcasted_iota(jnp.int32, (1, 2), 1)
    out_ref[...] = jnp.where(col == 0, mu, sd)

  return pl.pallas_call(
      k, out_shape=jax.ShapeDtypeStruct((1, 2), jnp.float32))(deg_t)


BN = 400


def _tc_dense(agg, deg_t, musd, x, w_msg, w_self, b2):

  def k(agg_ref, deg_ref, musd_ref, x_ref, wm_ref, ws_ref, b_ref, out_ref):
    a = agg_ref[0] + agg_ref[1]
    d = deg_ref[:, 0:1] + deg_ref[:, 1:2]
    am = a / jnp.maximum(d, 1.0)
    h = (jnp.dot(am, wm_ref[...], preferred_element_type=jnp.float32)
         + jnp.dot(x_ref[...], ws_ref[...], preferred_element_type=jnp.float32)
         + b_ref[...])
    g = jnp.maximum(h, 0.0)
    mu = musd_ref[0, 0]
    sd = musd_ref[0, 1]
    nd = (jnp.log(1.0 + d) - mu) / sd
    out_ref[:, 0:1] = nd
    out_ref[:, 1:D + 1] = g

  grid = N // BN
  return pl.pallas_call(
      k,
      grid=(grid,),
      in_specs=[
          pl.BlockSpec((NC, BN, D), lambda i: (0, i, 0)),
          pl.BlockSpec((BN, 2), lambda i: (i, 0)),
          pl.BlockSpec((1, 2), lambda i: (0, 0), memory_space=pltpu.SMEM),
          pl.BlockSpec((BN, D), lambda i: (i, 0)),
          pl.BlockSpec((D, D), lambda i: (0, 0)),
          pl.BlockSpec((D, D), lambda i: (0, 0)),
          pl.BlockSpec((1, D), lambda i: (0, 0)),
      ],
      out_specs=pl.BlockSpec((BN, D + 1), lambda i: (i, 0)),
      out_shape=jax.ShapeDtypeStruct((N, D + 1), jnp.float32),
  )(agg, deg_t, musd, x, w_msg, w_self, b2)


def kernel(x, edge_index, W_msg, W_self, b):
  src = edge_index[0]
  dst = edge_index[1]
  pad = E_PAD - E
  src_p = jnp.concatenate(
      [src, jnp.zeros((pad,), jnp.int32)]).reshape(NW, CHUNKS, K)
  dst_p = jnp.concatenate(
      [dst, jnp.full((pad,), N, jnp.int32)]).reshape(NW, CHUNKS, K)
  zrow = jnp.zeros((RPT, D), jnp.float32)
  zdeg = jnp.zeros((RPT,), jnp.float32)

  agg, deg = _sc_segment_sum(x, src_p, dst_p, zrow, zdeg)
  deg_t = deg.T
  musd = _tc_stats(deg_t)
  return _tc_dense(agg, deg_t[:N], musd, x, W_msg, W_self, b.reshape(1, D))

# --- scband reference (transcript-rebuilt; emitter-appended) ---
"""Pipeline reference for scband-node-embedder-47914655154804 (READ-ONLY COPY).

The authoritative reference and input builder live on the scoring server;
editing this copy changes nothing except your own understanding.
"""

import jax, jax.numpy as jnp
import numpy as np

N = 10000
E = 320000
D = 128


def setup_inputs(seed: int = 0) -> dict:
    key = jax.random.key(seed)
    k1, k2, k3, k4, k5 = jax.random.split(key, 5)
    x = jax.random.normal(k1, (N, D), dtype=jnp.float32)
    edge_index = jax.random.randint(k2, (2, E), 0, N, dtype=jnp.int32)
    W_msg = jax.random.normal(k3, (D, D), dtype=jnp.float32) * (1.0 / np.sqrt(D))
    W_self = jax.random.normal(k4, (D, D), dtype=jnp.float32) * (1.0 / np.sqrt(D))
    b = jax.random.normal(k5, (D,), dtype=jnp.float32) * 0.01
    return {"x": x, "edge_index": edge_index, "W_msg": W_msg, "W_self": W_self, "b": b}


def reference(x, edge_index, W_msg, W_self, b):
    # GNN message passing (mean aggregation over incoming edges + self transform)
    src = edge_index[0]
    dst = edge_index[1]
    msgs = jnp.take(x, src, axis=0)                                   # gather [E, D]
    agg = jax.ops.segment_sum(msgs, dst, num_segments=N)              # scatter-add [N, D]
    deg = jax.ops.segment_sum(jnp.ones((E,), jnp.float32), dst, num_segments=N)  # [N]
    agg_mean = agg / jnp.clip(deg, 1.0, None)[:, None]
    gnn_out = jnp.maximum(agg_mean @ W_msg + x @ W_self + b, 0.0)     # [N, D]

    # Node-degree features: log-count neighbours table, standardized
    # (mirrors update_node_degree_stats / update_node_degrees with log_count=True)
    log_deg = jnp.log1p(deg)[:, None]                                  # [N, 1]
    mu = jnp.mean(log_deg, axis=0)
    sd = jnp.std(log_deg, axis=0)
    norm_deg = (log_deg - mu) / jnp.where(sd > 0, sd, jnp.ones_like(sd))

    # node_embeddings = cat(node_degrees, gnn_output) -> [N, D+1]
    node_embeddings = jnp.concatenate([norm_deg, gnn_out], axis=1)
    return node_embeddings

if __name__ == "__main__":
    import jax
    _d = setup_inputs()
    print(jax.jit(kernel)(*tuple(_d.values())))

</pallas_src>

<mosaic_0001>
#map = affine_map<(d0, d1) -> (0, 0)>
#map1 = affine_map<(d0, d1) -> (0, 0, 0)>
#map2 = affine_map<(d0, d1) -> (0)>
module attributes {stable_mosaic.version = 14 : i64} {
  func.func @k(%arg0: i32, %arg1: i32, %arg2: memref<10000x128xf32, #tpu.memory_space<hbm>>, %arg3: memref<32x79x128xi32, #tpu.memory_space<hbm>>, %arg4: memref<32x79x128xi32, #tpu.memory_space<hbm>>, %arg5: memref<640x128xf32, #tpu.memory_space<hbm>>, %arg6: memref<640xf32, #tpu.memory_space<hbm>>, %arg7: memref<2x10240x128xf32, #tpu.memory_space<hbm>>, %arg8: memref<2x10240xf32, #tpu.memory_space<hbm>>, %arg9: memref<79x128xi32, #tpu.memory_space<vmem>>, %arg10: memref<79x128xi32, #tpu.memory_space<vmem>>, %arg11: memref<128x128xf32, #tpu.memory_space<vmem>>, %arg12: memref<128xf32, #tpu.memory_space<vmem>>, %arg13: memref<10240x128xf32, #tpu.memory_space<vmem_shared>>, %arg14: memref<10240xf32, #tpu.memory_space<vmem_shared>>, %arg15: memref<!tpu.dma_semaphore, #tpu.memory_space<semaphore_mem>>) attributes {dimension_semantics = [#tpu.dimension_semantics<core_parallel>, #tpu.dimension_semantics<subcore_parallel>], iteration_bounds = array<i64: 2, 16>, scalar_prefetch = 0 : i64, scratch_operands = 7 : i64, tpu.core_type = #tpu.core_type<sc_vector_subcore>, window_params = [{transform_indices = #map}, {transform_indices = #map1}, {transform_indices = #map1}, {transform_indices = #map}, {transform_indices = #map2}, {transform_indices = #map1}, {transform_indices = #map}]} {
    %mul3A = arith.constant 16 : i32
    %mul3A_0 = arith.muli %arg0, %mul3A : i32
    %add3A = arith.addi %mul3A_0, %arg1 : i32
    %mul3A_1 = arith.constant 640 : i32
    %mul3A_2 = arith.muli %arg1, %mul3A_1 : i32
    "tpu.region"() ({
      %run_scoped3A = tpu.sem_alloc : memref<!tpu.dma_semaphore, #tpu.memory_space<semaphore_mem>>
      %dma_start3A = arith.constant 0 : i32
      %dma_start3A_59 = tpu.memref_slice %arg13[%mul3A_2, %dma_start3A] : memref<10240x128xf32, #tpu.memory_space<vmem_shared>> -> memref<640x128xf32, #tpu.memory_space<vmem_shared>>
      tpu.enqueue_dma source(%arg5 : memref<640x128xf32, #tpu.memory_space<hbm>>) target(%dma_start3A_59 : memref<640x128xf32, #tpu.memory_space<vmem_shared>>) target_semaphore(%run_scoped3A : memref<!tpu.dma_semaphore, #tpu.memory_space<semaphore_mem>>)
      %dma_wait3A = arith.constant 0 : i32
      %dma_wait3A_60 = tpu.memref_slice %arg13[%mul3A_2, %dma_wait3A] : memref<10240x128xf32, #tpu.memory_space<vmem_shared>> -> memref<640x128xf32, #tpu.memory_space<vmem_shared>>
      tpu.wait_dma2 semaphore(%run_scoped3A : memref<!tpu.dma_semaphore, #tpu.memory_space<semaphore_mem>>) src(%arg5 : memref<640x128xf32, #tpu.memory_space<hbm>>) dst(%dma_wait3A_60 : memref<640x128xf32, #tpu.memory_space<vmem_shared>>)
      tpu.yield
    }) : () -> ()
    %mul3A_3 = arith.constant 640 : i32
    %mul3A_4 = arith.muli %arg1, %mul3A_3 : i32
    "tpu.region"() ({
      %run_scoped3A = tpu.sem_alloc : memref<!tpu.dma_semaphore, #tpu.memory_space<semaphore_mem>>
      %dma_start3A = tpu.memref_slice %arg14[%mul3A_4] : memref<10240xf32, #tpu.memory_space<vmem_shared>> -> memref<640xf32, #tpu.memory_space<vmem_shared>>
      tpu.enqueue_dma source(%arg6 : memref<640xf32, #tpu.memory_space<hbm>>) target(%dma_start3A : memref<640xf32, #tpu.memory_space<vmem_shared>>) target_semaphore(%run_scoped3A : memref<!tpu.dma_semaphore, #tpu.memory_space<semaphore_mem>>)
      %dma_wait3A = tpu.memref_slice %arg14[%mul3A_4] : memref<10240xf32, #tpu.memory_space<vmem_shared>> -> memref<640xf32, #tpu.memory_space<vmem_shared>>
      tpu.wait_dma2 semaphore(%run_scoped3A : memref<!tpu.dma_semaphore, #tpu.memory_space<semaphore_mem>>) src(%arg6 : memref<640xf32, #tpu.memory_space<hbm>>) dst(%dma_wait3A : memref<640xf32, #tpu.memory_space<vmem_shared>>)
      tpu.yield
    }) : () -> ()
    %broadcast_in_dim3A = arith.constant 1.000000e+00 : f32
    %broadcast_in_dim3A_5 = vector.broadcast %broadcast_in_dim3A : f32 to vector<16xf32>
    %swap3A = arith.constant 0 : index
    %swap3A_6 = tpu.vector_load %arg12[%swap3A] {strides = array<i32>} : memref<128xf32, #tpu.memory_space<vmem>>, vector<16xf32>,
    %swap3A_7 = vector.shape_cast %swap3A_6 : vector<16xf32> to vector<16xf32>
    %swap3A_8 = vector.shape_cast %broadcast_in_dim3A_5 : vector<16xf32> to vector<16xf32>
    tpu.vector_store %arg12[%swap3A], %swap3A_8 {strides = array<i32>} : memref<128xf32, #tpu.memory_space<vmem>>, vector<16xf32>,
    %broadcast_in_dim3A_9 = arith.constant 1.000000e+00 : f32
    %broadcast_in_dim3A_10 = vector.broadcast %broadcast_in_dim3A_9 : f32 to vector<16xf32>
    %swap3A_11 = arith.constant 16 : index
    %swap3A_12 = tpu.vector_load %arg12[%swap3A_11] {strides = array<i32>} : memref<128xf32, #tpu.memory_space<vmem>>, vector<16xf32>,
    %swap3A_13 = vector.shape_cast %swap3A_12 : vector<16xf32> to vector<16xf32>
    %swap3A_14 = vector.shape_cast %broadcast_in_dim3A_10 : vector<16xf32> to vector<16xf32>
    tpu.vector_store %arg12[%swap3A_11], %swap3A_14 {strides = array<i32>} : memref<128xf32, #tpu.memory_space<vmem>>, vector<16xf32>,
    %broadcast_in_dim3A_15 = arith.constant 1.000000e+00 : f32
    %broadcast_in_dim3A_16 = vector.broadcast %broadcast_in_dim3A_15 : f32 to vector<16xf32>
    %swap3A_17 = arith.constant 32 : index
    %swap3A_18 = tpu.vector_load %arg12[%swap3A_17] {strides = array<i32>} : memref<128xf32, #tpu.memory_space<vmem>>, vector<16xf32>,
    %swap3A_19 = vector.shape_cast %swap3A_18 : vector<16xf32> to vector<16xf32>
    %swap3A_20 = vector.shape_cast %broadcast_in_dim3A_16 : vector<16xf32> to vector<16xf32>
    tpu.vector_store %arg12[%swap3A_17], %swap3A_20 {strides = array<i32>} : memref<128xf32, #tpu.memory_space<vmem>>, vector<16xf32>,
    %broadcast_in_dim3A_21 = arith.constant 1.000000e+00 : f32
    %broadcast_in_dim3A_22 = vector.broadcast %broadcast_in_dim3A_21 : f32 to vector<16xf32>
    %swap3A_23 = arith.constant 48 : index
    %swap3A_24 = tpu.vector_load %arg12[%swap3A_23] {strides = array<i32>} : memref<128xf32, #tpu.memory_space<vmem>>, vector<16xf32>,
    %swap3A_25 = vector.shape_cast %swap3A_24 : vector<16xf32> to vector<16xf32>
    %swap3A_26 = vector.shape_cast %broadcast_in_dim3A_22 : vector<16xf32> to vector<16xf32>
    tpu.vector_store %arg12[%swap3A_23], %swap3A_26 {strides = array<i32>} : memref<128xf32, #tpu.memory_space<vmem>>, vector<16xf32>,
    %broadcast_in_dim3A_27 = arith.constant 1.000000e+00 : f32
    %broadcast_in_dim3A_28 = vector.broadcast %broadcast_in_dim3A_27 : f32 to vector<16xf32>
    %swap3A_29 = arith.constant 64 : index
    %swap3A_30 = tpu.vector_load %arg12[%swap3A_29] {strides = array<i32>} : memref<128xf32, #tpu.memory_space<vmem>>, vector<16xf32>,
    %swap3A_31 = vector.shape_cast %swap3A_30 : vector<16xf32> to vector<16xf32>
    %swap3A_32 = vector.shape_cast %broadcast_in_dim3A_28 : vector<16xf32> to vector<16xf32>
    tpu.vector_store %arg12[%swap3A_29], %swap3A_32 {strides = array<i32>} : memref<128xf32, #tpu.memory_space<vmem>>, vector<16xf32>,
    %broadcast_in_dim3A_33 = arith.constant 1.000000e+00 : f32
    %broadcast_in_dim3A_34 = vector.broadcast %broadcast_in_dim3A_33 : f32 to vector<16xf32>
    %swap3A_35 = arith.constant 80 : index
    %swap3A_36 = tpu.vector_load %arg12[%swap3A_35] {strides = array<i32>} : memref<128xf32, #tpu.memory_space<vmem>>, vector<16xf32>,
    %swap3A_37 = vector.shape_cast %swap3A_36 : vector<16xf32> to vector<16xf32>
    %swap3A_38 = vector.shape_cast %broadcast_in_dim3A_34 : vector<16xf32> to vector<16xf32>
    tpu.vector_store %arg12[%swap3A_35], %swap3A_38 {strides = array<i32>} : memref<128xf32, #tpu.memory_space<vmem>>, vector<16xf32>,
    %broadcast_in_dim3A_39 = arith.constant 1.000000e+00 : f32
    %broadcast_in_dim3A_40 = vector.broadcast %broadcast_in_dim3A_39 : f32 to vector<16xf32>
    %swap3A_41 = arith.constant 96 : index
    %swap3A_42 = tpu.vector_load %arg12[%swap3A_41] {strides = array<i32>} : memref<128xf32, #tpu.memory_space<vmem>>, vector<16xf32>,
    %swap3A_43 = vector.shape_cast %swap3A_42 : vector<16xf32> to vector<16xf32>
    %swap3A_44 = vector.shape_cast %broadcast_in_dim3A_40 : vector<16xf32> to vector<16xf32>
    tpu.vector_store %arg12[%swap3A_41], %swap3A_44 {strides = array<i32>} : memref<128xf32, #tpu.memory_space<vmem>>, vector<16xf32>,
    %broadcast_in_dim3A_45 = arith.constant 1.000000e+00 : f32
    %broadcast_in_dim3A_46 = vector.broadcast %broadcast_in_dim3A_45 : f32 to vector<16xf32>
    %swap3A_47 = arith.constant 112 : index
    %swap3A_48 = tpu.vector_load %arg12[%swap3A_47] {strides = array<i32>} : memref<128xf32, #tpu.memory_space<vmem>>, vector<16xf32>,
    %swap3A_49 = vector.shape_cast %swap3A_48 : vector<16xf32> to vector<16xf32>
    %swap3A_50 = vector.shape_cast %broadcast_in_dim3A_46 : vector<16xf32> to vector<16xf32>
    tpu.vector_store %arg12[%swap3A_47], %swap3A_50 {strides = array<i32>} : memref<128xf32, #tpu.memory_space<vmem>>, vector<16xf32>,
    "tpu.region"() ({
      %run_scoped3A = tpu.sem_alloc : memref<!tpu.dma_semaphore, #tpu.memory_space<semaphore_mem>>
      %dma_start3A = arith.constant 0 : i32
      %dma_start3A_59 = arith.constant 0 : i32
      %dma_start3A_60 = tpu.memref_slice %arg3[%add3A, %dma_start3A, %dma_start3A_59] : memref<32x79x128xi32, #tpu.memory_space<hbm>> -> memref<1x79x128xi32, #tpu.memory_space<hbm>>
      %dma_start3A_61 = tpu.memref_squeeze %dma_start3A_60 : memref<1x79x128xi32, #tpu.memory_space<hbm>> -> memref<79x128xi32, #tpu.memory_space<hbm>>
      %dma_start3A_62 = arith.constant 0 : i32
      %dma_start3A_63 = arith.constant 0 : i32
      %dma_start3A_64 = tpu.memref_slice %arg3[%add3A, %dma_start3A_62, %dma_start3A_63] : memref<32x79x128xi32, #tpu.memory_space<hbm>> -> memref<1x79x128xi32, #tpu.memory_space<hbm>>
      %dma_start3A_65 = tpu.memref_squeeze %dma_start3A_64 : memref<1x79x128xi32, #tpu.memory_space<hbm>> -> memref<79x128xi32, #tpu.memory_space<hbm>>
      tpu.enqueue_dma source(%dma_start3A_65 : memref<79x128xi32, #tpu.memory_space<hbm>>) target(%arg9 : memref<79x128xi32, #tpu.memory_space<vmem>>) target_semaphore(%run_scoped3A : memref<!tpu.dma_semaphore, #tpu.memory_space<semaphore_mem>>)
      %dma_wait3A = arith.constant 0 : i32
      %dma_wait3A_66 = arith.constant 0 : i32
      %dma_wait3A_67 = tpu.memref_slice %arg3[%add3A, %dma_wait3A, %dma_wait3A_66] : memref<32x79x128xi32, #tpu.memory_space<hbm>> -> memref<1x79x128xi32, #tpu.memory_space<hbm>>
      %dma_wait3A_68 = tpu.memref_squeeze %dma_wait3A_67 : memref<1x79x128xi32, #tpu.memory_space<hbm>> -> memref<79x128xi32, #tpu.memory_space<hbm>>
      %dma_wait3A_69 = arith.constant 0 : i32
      %dma_wait3A_70 = arith.constant 0 : i32
      %dma_wait3A_71 = tpu.memref_slice %arg3[%add3A, %dma_wait3A_69, %dma_wait3A_70] : memref<32x79x128xi32, #tpu.memory_space<hbm>> -> memref<1x79x128xi32, #tpu.memory_space<hbm>>
      %dma_wait3A_72 = tpu.memref_squeeze %dma_wait3A_71 : memref<1x79x128xi32, #tpu.memory_space<hbm>> -> memref<79x128xi32, #tpu.memory_space<hbm>>
      tpu.wait_dma2 semaphore(%run_scoped3A : memref<!tpu.dma_semaphore, #tpu.memory_space<semaphore_mem>>) src(%dma_wait3A_72 : memref<79x128xi32, #tpu.memory_space<hbm>>) dst(%arg9 : memref<79x128xi32, #tpu.memory_space<vmem>>)
      tpu.yield
    }) : () -> ()
    "tpu.region"() ({
      %run_scoped3A = tpu.sem_alloc : memref<!tpu.dma_semaphore, #tpu.memory_space<semaphore_mem>>
      %dma_start3A = arith.constant 0 : i32
      %dma_start3A_59 = arith.constant 0 : i32
      %dma_start3A_60 = tpu.memref_slice %arg4[%add3A, %dma_start3A, %dma_start3A_59] : memref<32x79x128xi32, #tpu.memory_space<hbm>> -> memref<1x79x128xi32, #tpu.memory_space<hbm>>
      %dma_start3A_61 = tpu.memref_squeeze %dma_start3A_60 : memref<1x79x128xi32, #tpu.memory_space<hbm>> -> memref<79x128xi32, #tpu.memory_space<hbm>>
      %dma_start3A_62 = arith.constant 0 : i32
      %dma_start3A_63 = arith.constant 0 : i32
      %dma_start3A_64 = tpu.memref_slice %arg4[%add3A, %dma_start3A_62, %dma_start3A_63] : memref<32x79x128xi32, #tpu.memory_space<hbm>> -> memref<1x79x128xi32, #tpu.memory_space<hbm>>
      %dma_start3A_65 = tpu.memref_squeeze %dma_start3A_64 : memref<1x79x128xi32, #tpu.memory_space<hbm>> -> memref<79x128xi32, #tpu.memory_space<hbm>>
      tpu.enqueue_dma source(%dma_start3A_65 : memref<79x128xi32, #tpu.memory_space<hbm>>) target(%arg10 : memref<79x128xi32, #tpu.memory_space<vmem>>) target_semaphore(%run_scoped3A : memref<!tpu.dma_semaphore, #tpu.memory_space<semaphore_mem>>)
      %dma_wait3A = arith.constant 0 : i32
      %dma_wait3A_66 = arith.constant 0 : i32
      %dma_wait3A_67 = tpu.memref_slice %arg4[%add3A, %dma_wait3A, %dma_wait3A_66] : memref<32x79x128xi32, #tpu.memory_space<hbm>> -> memref<1x79x128xi32, #tpu.memory_space<hbm>>
      %dma_wait3A_68 = tpu.memref_squeeze %dma_wait3A_67 : memref<1x79x128xi32, #tpu.memory_space<hbm>> -> memref<79x128xi32, #tpu.memory_space<hbm>>
      %dma_wait3A_69 = arith.constant 0 : i32
      %dma_wait3A_70 = arith.constant 0 : i32
      %dma_wait3A_71 = tpu.memref_slice %arg4[%add3A, %dma_wait3A_69, %dma_wait3A_70] : memref<32x79x128xi32, #tpu.memory_space<hbm>> -> memref<1x79x128xi32, #tpu.memory_space<hbm>>
      %dma_wait3A_72 = tpu.memref_squeeze %dma_wait3A_71 : memref<1x79x128xi32, #tpu.memory_space<hbm>> -> memref<79x128xi32, #tpu.memory_space<hbm>>
      tpu.wait_dma2 semaphore(%run_scoped3A : memref<!tpu.dma_semaphore, #tpu.memory_space<semaphore_mem>>) src(%dma_wait3A_72 : memref<79x128xi32, #tpu.memory_space<hbm>>) dst(%arg10 : memref<79x128xi32, #tpu.memory_space<vmem>>)
      tpu.yield
    }) : () -> ()
    %barrier3A = arith.constant 0 : index
    tpu.barrier barrier_id(%barrier3A)
    %scan3A = arith.constant 0 : i32
    %scan3A_51 = arith.constant 0 : i32
    %scan3A_52 = arith.constant 79 : i32
    %scan3A_53 = arith.addi %scan3A_51, %scan3A_52 : i32
    %scan3A_54 = arith.constant 1 : i32
    scf.for %scan3A_59 = %scan3A_51 to %scan3A_53 step %scan3A_54  : i32 {
      %dma_start3A = arith.constant 0 : i32
      %dma_start3A_60 = tpu.memref_slice %arg9[%scan3A_59, %dma_start3A] : memref<79x128xi32, #tpu.memory_space<vmem>> -> memref<1x128xi32, #tpu.memory_space<vmem>>
      %dma_start3A_61 = tpu.memref_squeeze %dma_start3A_60 : memref<1x128xi32, #tpu.memory_space<vmem>> -> memref<128xi32, #tpu.memory_space<vmem>>
      %dma_start3A_62 = arith.constant 0 : i32
      %dma_start3A_63 = arith.constant 0 : i32
      %dma_start3A_64 = tpu.memref_slice %arg2[%dma_start3A_62, %dma_start3A_63] : memref<10000x128xf32, #tpu.memory_space<hbm>> -> memref<10000x128xf32, #tpu.memory_space<hbm>>
      tpu.enqueue_indirect_dma source(%dma_start3A_64 : memref<10000x128xf32, #tpu.memory_space<hbm>>) target(%arg11 : memref<128x128xf32, #tpu.memory_space<vmem>>) offsets(%dma_start3A_61 : memref<128xi32, #tpu.memory_space<vmem>>) semaphore(%arg15 : memref<!tpu.dma_semaphore, #tpu.memory_space<semaphore_mem>>)
      %dma_wait3A = arith.constant 0 : i32
      %dma_wait3A_65 = tpu.memref_slice %arg9[%scan3A_59, %dma_wait3A] : memref<79x128xi32, #tpu.memory_space<vmem>> -> memref<1x128xi32, #tpu.memory_space<vmem>>
      %dma_wait3A_66 = tpu.memref_squeeze %dma_wait3A_65 : memref<1x128xi32, #tpu.memory_space<vmem>> -> memref<128xi32, #tpu.memory_space<vmem>>
      %dma_wait3A_67 = arith.constant 0 : i32
      %dma_wait3A_68 = arith.constant 0 : i32
      %dma_wait3A_69 = tpu.memref_slice %arg2[%dma_wait3A_67, %dma_wait3A_68] : memref<10000x128xf32, #tpu.memory_space<hbm>> -> memref<10000x128xf32, #tpu.memory_space<hbm>>
      tpu.wait_indirect_dma semaphore(%arg15 : memref<!tpu.dma_semaphore, #tpu.memory_space<semaphore_mem>>) src(%dma_wait3A_69 : memref<10000x128xf32, #tpu.memory_space<hbm>>) dst(%arg11 : memref<128x128xf32, #tpu.memory_space<vmem>>)
      "tpu.region"() ({
        %run_scoped3A = tpu.sem_alloc : memref<!tpu.dma_semaphore, #tpu.memory_space<semaphore_mem>>
        %dma_start3A_70 = arith.constant 0 : i32
        %dma_start3A_71 = tpu.memref_slice %arg10[%scan3A_59, %dma_start3A_70] : memref<79x128xi32, #tpu.memory_space<vmem>> -> memref<1x128xi32, #tpu.memory_space<vmem>>
        %dma_start3A_72 = tpu.memref_squeeze %dma_start3A_71 : memref<1x128xi32, #tpu.memory_space<vmem>> -> memref<128xi32, #tpu.memory_space<vmem>>
        %dma_start3A_73 = arith.constant 0 : i32
        %dma_start3A_74 = arith.constant 0 : i32
        %dma_start3A_75 = tpu.memref_slice %arg13[%dma_start3A_73, %dma_start3A_74] : memref<10240x128xf32, #tpu.memory_space<vmem_shared>> -> memref<10240x128xf32, #tpu.memory_space<vmem_shared>>
        tpu.enqueue_indirect_dma source(%arg11 : memref<128x128xf32, #tpu.memory_space<vmem>>) target(%dma_start3A_75 : memref<10240x128xf32, #tpu.memory_space<vmem_shared>>) offsets(%dma_start3A_72 : memref<128xi32, #tpu.memory_space<vmem>>) semaphore(%run_scoped3A : memref<!tpu.dma_semaphore, #tpu.memory_space<semaphore_mem>>) {add = true}
        %dma_wait3A_76 = arith.constant 0 : i32
        %dma_wait3A_77 = tpu.memref_slice %arg10[%scan3A_59, %dma_wait3A_76] : memref<79x128xi32, #tpu.memory_space<vmem>> -> memref<1x128xi32, #tpu.memory_space<vmem>>
        %dma_wait3A_78 = tpu.memref_squeeze %dma_wait3A_77 : memref<1x128xi32, #tpu.memory_space<vmem>> -> memref<128xi32, #tpu.memory_space<vmem>>
        %dma_wait3A_79 = arith.constant 0 : i32
        %dma_wait3A_80 = arith.constant 0 : i32
        %dma_wait3A_81 = tpu.memref_slice %arg13[%dma_wait3A_79, %dma_wait3A_80] : memref<10240x128xf32, #tpu.memory_space<vmem_shared>> -> memref<10240x128xf32, #tpu.memory_space<vmem_shared>>
        tpu.wait_indirect_dma semaphore(%run_scoped3A : memref<!tpu.dma_semaphore, #tpu.memory_space<semaphore_mem>>) src(%arg11 : memref<128x128xf32, #tpu.memory_space<vmem>>) dst(%dma_wait3A_81 : memref<10240x128xf32, #tpu.memory_space<vmem_shared>>)
        tpu.yield
      }) : () -> ()
      "tpu.region"() ({
        %run_scoped3A = tpu.sem_alloc : memref<!tpu.dma_semaphore, #tpu.memory_space<semaphore_mem>>
        %dma_start3A_70 = arith.constant 0 : i32
        %dma_start3A_71 = tpu.memref_slice %arg10[%scan3A_59, %dma_start3A_70] : memref<79x128xi32, #tpu.memory_space<vmem>> -> memref<1x128xi32, #tpu.memory_space<vmem>>
        %dma_start3A_72 = tpu.memref_squeeze %dma_start3A_71 : memref<1x128xi32, #tpu.memory_space<vmem>> -> memref<128xi32, #tpu.memory_space<vmem>>
        %dma_start3A_73 = arith.constant 0 : i32
        %dma_start3A_74 = tpu.memref_slice %arg14[%dma_start3A_73] : memref<10240xf32, #tpu.memory_space<vmem_shared>> -> memref<10240xf32, #tpu.memory_space<vmem_shared>>
        tpu.enqueue_indirect_dma source(%arg12 : memref<128xf32, #tpu.memory_space<vmem>>) target(%dma_start3A_74 : memref<10240xf32, #tpu.memory_space<vmem_shared>>) offsets(%dma_start3A_72 : memref<128xi32, #tpu.memory_space<vmem>>) semaphore(%run_scoped3A : memref<!tpu.dma_semaphore, #tpu.memory_space<semaphore_mem>>) {add = true}
        %dma_wait3A_75 = arith.constant 0 : i32
        %dma_wait3A_76 = tpu.memref_slice %arg10[%scan3A_59, %dma_wait3A_75] : memref<79x128xi32, #tpu.memory_space<vmem>> -> memref<1x128xi32, #tpu.memory_space<vmem>>
        %dma_wait3A_77 = tpu.memref_squeeze %dma_wait3A_76 : memref<1x128xi32, #tpu.memory_space<vmem>> -> memref<128xi32, #tpu.memory_space<vmem>>
        %dma_wait3A_78 = arith.constant 0 : i32
        %dma_wait3A_79 = tpu.memref_slice %arg14[%dma_wait3A_78] : memref<10240xf32, #tpu.memory_space<vmem_shared>> -> memref<10240xf32, #tpu.memory_space<vmem_shared>>
        tpu.wait_indirect_dma semaphore(%run_scoped3A : memref<!tpu.dma_semaphore, #tpu.memory_space<semaphore_mem>>) src(%arg12 : memref<128xf32, #tpu.memory_space<vmem>>) dst(%dma_wait3A_79 : memref<10240xf32, #tpu.memory_space<vmem_shared>>)
        tpu.yield
      }) : () -> ()
    }
    %scan3A_55 = arith.constant 79 : i32
    %barrier3A_56 = arith.constant 0 : index
    tpu.barrier barrier_id(%barrier3A_56)
    %mul3A_57 = arith.constant 640 : i32
    %mul3A_58 = arith.muli %arg1, %mul3A_57 : i32
    "tpu.region"() ({
      %run_scoped3A = tpu.sem_alloc : memref<!tpu.dma_semaphore, #tpu.memory_space<semaphore_mem>>
      %dma_start3A = arith.constant 0 : i32
      %dma_start3A_59 = arith.constant 0 : i32
      %dma_start3A_60 = tpu.memref_slice %arg7[%arg0, %dma_start3A, %dma_start3A_59] : memref<2x10240x128xf32, #tpu.memory_space<hbm>> -> memref<1x10240x128xf32, #tpu.memory_space<hbm>>
      %dma_start3A_61 = tpu.memref_squeeze %dma_start3A_60 : memref<1x10240x128xf32, #tpu.memory_space<hbm>> -> memref<10240x128xf32, #tpu.memory_space<hbm>>
      %dma_start3A_62 = arith.constant 0 : i32
      %dma_start3A_63 = tpu.memref_slice %dma_start3A_61[%mul3A_58, %dma_start3A_62] : memref<10240x128xf32, #tpu.memory_space<hbm>> -> memref<640x128xf32, #tpu.memory_space<hbm>>
      %dma_start3A_64 = arith.constant 0 : i32
      %dma_start3A_65 = tpu.memref_slice %arg13[%mul3A_58, %dma_start3A_64] : memref<10240x128xf32, #tpu.memory_space<vmem_shared>> -> memref<640x128xf32, #tpu.memory_space<vmem_shared>>
      tpu.enqueue_dma source(%dma_start3A_65 : memref<640x128xf32, #tpu.memory_space<vmem_shared>>) target(%dma_start3A_63 : memref<640x128xf32, #tpu.memory_space<hbm>>) target_semaphore(%run_scoped3A : memref<!tpu.dma_semaphore, #tpu.memory_space<semaphore_mem>>)
      %dma_wait3A = arith.constant 0 : i32
      %dma_wait3A_66 = arith.constant 0 : i32
      %dma_wait3A_67 = tpu.memref_slice %arg7[%arg0, %dma_wait3A, %dma_wait3A_66] : memref<2x10240x128xf32, #tpu.memory_space<hbm>> -> memref<1x10240x128xf32, #tpu.memory_space<hbm>>
      %dma_wait3A_68 = tpu.memref_squeeze %dma_wait3A_67 : memref<1x10240x128xf32, #tpu.memory_space<hbm>> -> memref<10240x128xf32, #tpu.memory_space<hbm>>
      %dma_wait3A_69 = arith.constant 0 : i32
      %dma_wait3A_70 = tpu.memref_slice %dma_wait3A_68[%mul3A_58, %dma_wait3A_69] : memref<10240x128xf32, #tpu.memory_space<hbm>> -> memref<640x128xf32, #tpu.memory_space<hbm>>
      %dma_wait3A_71 = arith.constant 0 : i32
      %dma_wait3A_72 = tpu.memref_slice %arg13[%mul3A_58, %dma_wait3A_71] : memref<10240x128xf32, #tpu.memory_space<vmem_shared>> -> memref<640x128xf32, #tpu.memory_space<vmem_shared>>
      tpu.wait_dma2 semaphore(%run_scoped3A : memref<!tpu.dma_semaphore, #tpu.memory_space<semaphore_mem>>) src(%dma_wait3A_72 : memref<640x128xf32, #tpu.memory_space<vmem_shared>>) dst(%dma_wait3A_70 : memref<640x128xf32, #tpu.memory_space<hbm>>)
      tpu.yield
    }) : () -> ()
    "tpu.region"() ({
      %run_scoped3A = tpu.sem_alloc : memref<!tpu.dma_semaphore, #tpu.memory_space<semaphore_mem>>
      %dma_start3A = arith.constant 0 : i32
      %dma_start3A_59 = tpu.memref_slice %arg8[%arg0, %dma_start3A] : memref<2x10240xf32, #tpu.memory_space<hbm>> -> memref<1x10240xf32, #tpu.memory_space<hbm>>
      %dma_start3A_60 = tpu.memref_squeeze %dma_start3A_59 : memref<1x10240xf32, #tpu.memory_space<hbm>> -> memref<10240xf32, #tpu.memory_space<hbm>>
      %dma_start3A_61 = tpu.memref_slice %dma_start3A_60[%mul3A_58] : memref<10240xf32, #tpu.memory_space<hbm>> -> memref<640xf32, #tpu.memory_space<hbm>>
      %dma_start3A_62 = tpu.memref_slice %arg14[%mul3A_58] : memref<10240xf32, #tpu.memory_space<vmem_shared>> -> memref<640xf32, #tpu.memory_space<vmem_shared>>
      tpu.enqueue_dma source(%dma_start3A_62 : memref<640xf32, #tpu.memory_space<vmem_shared>>) target(%dma_start3A_61 : memref<640xf32, #tpu.memory_space<hbm>>) target_semaphore(%run_scoped3A : memref<!tpu.dma_semaphore, #tpu.memory_space<semaphore_mem>>)
      %dma_wait3A = arith.constant 0 : i32
      %dma_wait3A_63 = tpu.memref_slice %arg8[%arg0, %dma_wait3A] : memref<2x10240xf32, #tpu.memory_space<hbm>> -> memref<1x10240xf32, #tpu.memory_space<hbm>>
      %dma_wait3A_64 = tpu.memref_squeeze %dma_wait3A_63 : memref<1x10240xf32, #tpu.memory_space<hbm>> -> memref<10240xf32, #tpu.memory_space<hbm>>
      %dma_wait3A_65 = tpu.memref_slice %dma_wait3A_64[%mul3A_58] : memref<10240xf32, #tpu.memory_space<hbm>> -> memref<640xf32, #tpu.memory_space<hbm>>
      %dma_wait3A_66 = tpu.memref_slice %arg14[%mul3A_58] : memref<10240xf32, #tpu.memory_space<vmem_shared>> -> memref<640xf32, #tpu.memory_space<vmem_shared>>
      tpu.wait_dma2 semaphore(%run_scoped3A : memref<!tpu.dma_semaphore, #tpu.memory_space<semaphore_mem>>) src(%dma_wait3A_66 : memref<640xf32, #tpu.memory_space<vmem_shared>>) dst(%dma_wait3A_65 : memref<640xf32, #tpu.memory_space<hbm>>)
      tpu.yield
    }) : () -> ()
    return
  }
}

module attributes {stable_mosaic.version = 14 : i64} {
  func.func @k(%arg0: memref<10240x2xf32, #tpu.memory_space<vmem>>, %arg1: memref<1x2xf32, #tpu.memory_space<vmem>>) attributes {dimension_semantics = [], scalar_prefetch = 0 : i64, scratch_operands = 0 : i64, tpu.core_type = #tpu.core_type<tc>} {
    %get3A = arith.constant 0 : index
    %get3A_0 = arith.constant 0 : index
    %get3A_1 = vector.load %arg0[%get3A, %get3A_0] : memref<10240x2xf32, #tpu.memory_space<vmem>>, vector<10240x1xf32>
    %get3A_2 = arith.constant 0 : index
    %get3A_3 = arith.constant 1 : index
    %get3A_4 = vector.load %arg0[%get3A_2, %get3A_3] : memref<10240x2xf32, #tpu.memory_space<vmem>>, vector<10240x1xf32>
    %add3A = arith.addf %get3A_1, %get3A_4 : vector<10240x1xf32>
    %iota3A = tpu.iota {dimensions = array<i32: 0>} : vector<10240x1xi32>
    %lt3A = arith.constant 10000 : i32
    %lt3A_5 = vector.broadcast %lt3A : i32 to vector<10240x1xi32>
    %lt3A_6 = arith.cmpi slt, %iota3A, %lt3A_5 : vector<10240x1xi32>
    %add3A_7 = arith.constant 1.000000e+00 : f32
    %add3A_8 = vector.broadcast %add3A_7 : f32 to vector<10240x1xf32>
    %add3A_9 = arith.addf %add3A_8, %add3A : vector<10240x1xf32>
    %log3A = math.log %add3A_9 : vector<10240x1xf32>
    %jit3A = arith.constant 0.000000e+00 : f32
    %broadcast_in_dim3A = vector.broadcast %jit3A : f32 to vector<10240x1xf32>
    %select_n3A = arith.select %lt3A_6, %log3A, %broadcast_in_dim3A : vector<10240x1xi1>, vector<10240x1xf32>
    %reduce_sum3A = vector.shape_cast %select_n3A : vector<10240x1xf32> to vector<1x10240x1xf32>
    %reduce_sum3A_10 = arith.constant dense<0.000000e+00> : vector<1xf32>
    %reduce_sum3A_11 = vector.multi_reduction <add>, %reduce_sum3A, %reduce_sum3A_10 [1, 2] : vector<1x10240x1xf32> to vector<1xf32>
    %reduce_sum3A_12 = vector.shape_cast %reduce_sum3A_11 : vector<1xf32> to vector<1x1x1xf32>
    %reduce_sum3A_13 = vector.extract %reduce_sum3A_12[0, 0, 0] : f32 from vector<1x1x1xf32>
    %mul3A = arith.mulf %select_n3A, %select_n3A : vector<10240x1xf32>
    %reduce_sum3A_14 = vector.shape_cast %mul3A : vector<10240x1xf32> to vector<1x10240x1xf32>
    %reduce_sum3A_15 = arith.constant dense<0.000000e+00> : vector<1xf32>
    %reduce_sum3A_16 = vector.multi_reduction <add>, %reduce_sum3A_14, %reduce_sum3A_15 [1, 2] : vector<1x10240x1xf32> to vector<1xf32>
    %reduce_sum3A_17 = vector.shape_cast %reduce_sum3A_16 : vector<1xf32> to vector<1x1x1xf32>
    %reduce_sum3A_18 = vector.extract %reduce_sum3A_17[0, 0, 0] : f32 from vector<1x1x1xf32>
    %div3A = arith.constant 1.000000e+04 : f32
    %div3A_19 = arith.divf %reduce_sum3A_13, %div3A : f32
    %div3A_20 = arith.constant 1.000000e+04 : f32
    %div3A_21 = arith.divf %reduce_sum3A_18, %div3A_20 : f32
    %mul3A_22 = arith.mulf %div3A_19, %div3A_19 : f32
    %sub3A = arith.subf %div3A_21, %mul3A_22 : f32
    %max3A = arith.constant 0.000000e+00 : f32
    %max3A_23 = arith.maximumf %sub3A, %max3A : f32
    %sqrt3A = math.sqrt %max3A_23 : f32
    %gt3A = arith.constant 0.000000e+00 : f32
    %gt3A_24 = arith.cmpf ogt, %sqrt3A, %gt3A : f32
    %jit3A_25 = arith.constant 1.000000e+00 : f32
    %select_n3A_26 = arith.select %gt3A_24, %sqrt3A, %jit3A_25 : f32
    %iota3A_27 = tpu.iota {dimensions = array<i32: 1>} : vector<1x2xi32>
    %eq3A = arith.constant 0 : i32
    %eq3A_28 = vector.broadcast %eq3A : i32 to vector<1x2xi32>
    %eq3A_29 = arith.cmpi eq, %iota3A_27, %eq3A_28 : vector<1x2xi32>
    %broadcast_in_dim3A_30 = vector.broadcast %div3A_19 : f32 to vector<1x2xf32>
    %broadcast_in_dim3A_31 = vector.broadcast %select_n3A_26 : f32 to vector<1x2xf32>
    %select_n3A_32 = arith.select %eq3A_29, %broadcast_in_dim3A_30, %broadcast_in_dim3A_31 : vector<1x2xi1>, vector<1x2xf32>
    %swap3A = arith.constant 0 : index
    %swap3A_33 = arith.constant 0 : index
    %swap3A_34 = vector.load %arg1[%swap3A, %swap3A_33] : memref<1x2xf32, #tpu.memory_space<vmem>>, vector<1x2xf32>
    tpu.vector_store %arg1[%swap3A, %swap3A_33], %select_n3A_32 {strides = array<i32>} : memref<1x2xf32, #tpu.memory_space<vmem>>, vector<1x2xf32>,
    return
  }
}

module attributes {stable_mosaic.version = 14 : i64} {
  func.func @k(%arg0: i32, %arg1: memref<2x400x128xf32, #tpu.memory_space<vmem>>, %arg2: memref<400x2xf32, #tpu.memory_space<vmem>>, %arg3: memref<1x2xf32, #tpu.memory_space<smem>>, %arg4: memref<400x128xf32, #tpu.memory_space<vmem>>, %arg5: memref<128x128xf32, #tpu.memory_space<vmem>>, %arg6: memref<128x128xf32, #tpu.memory_space<vmem>>, %arg7: memref<1x128xf32, #tpu.memory_space<vmem>>, %arg8: memref<400x129xf32, #tpu.memory_space<vmem>>) attributes {dimension_semantics = [#tpu.dimension_semantics<arbitrary>], iteration_bounds = array<i64: 25>, scalar_prefetch = 0 : i64, scratch_operands = 0 : i64, tpu.core_type = #tpu.core_type<tc>, window_params = [{transform_indices = @transform_0, window_bounds = array<i64: 2, 400, 128>}, {transform_indices = @transform_1, window_bounds = array<i64: 400, 2>}, {transform_indices = @transform_2, window_bounds = array<i64: 1, 2>}, {transform_indices = @transform_3, window_bounds = array<i64: 400, 128>}, {pipeline_mode = #tpu.pipeline_mode<synchronous>, transform_indices = @transform_4, window_bounds = array<i64: 128, 128>}, {pipeline_mode = #tpu.pipeline_mode<synchronous>, transform_indices = @transform_5, window_bounds = array<i64: 128, 128>}, {pipeline_mode = #tpu.pipeline_mode<synchronous>, transform_indices = @transform_6, window_bounds = array<i64: 1, 128>}, {transform_indices = @transform_7, window_bounds = array<i64: 400, 129>}]} {
    %get3A = arith.constant 0 : index
    %get3A_0 = arith.constant 0 : index
    %get3A_1 = arith.constant 0 : index
    %get3A_2 = vector.load %arg1[%get3A, %get3A_0, %get3A_1] : memref<2x400x128xf32, #tpu.memory_space<vmem>>, vector<1x400x128xf32>
    %get3A_3 = vector.shape_cast %get3A_2 : vector<1x400x128xf32> to vector<400x128xf32>
    %get3A_4 = arith.constant 1 : index
    %get3A_5 = arith.constant 0 : index
    %get3A_6 = arith.constant 0 : index
    %get3A_7 = vector.load %arg1[%get3A_4, %get3A_5, %get3A_6] : memref<2x400x128xf32, #tpu.memory_space<vmem>>, vector<1x400x128xf32>
    %get3A_8 = vector.shape_cast %get3A_7 : vector<1x400x128xf32> to vector<400x128xf32>
    %add3A = arith.addf %get3A_3, %get3A_8 : vector<400x128xf32>
    %get3A_9 = arith.constant 0 : index
    %get3A_10 = arith.constant 0 : index
    %get3A_11 = vector.load %arg2[%get3A_9, %get3A_10] : memref<400x2xf32, #tpu.memory_space<vmem>>, vector<400x1xf32>
    %get3A_12 = arith.constant 0 : index
    %get3A_13 = arith.constant 1 : index
    %get3A_14 = vector.load %arg2[%get3A_12, %get3A_13] : memref<400x2xf32, #tpu.memory_space<vmem>>, vector<400x1xf32>
    %add3A_15 = arith.addf %get3A_11, %get3A_14 : vector<400x1xf32>
    %max3A = arith.constant 1.000000e+00 : f32
    %max3A_16 = vector.broadcast %max3A : f32 to vector<400x1xf32>
    %max3A_17 = arith.maximumf %add3A_15, %max3A_16 : vector<400x1xf32>
    %div3A = vector.broadcast %max3A_17 : vector<400x1xf32> to vector<400x128xf32>
    %div3A_18 = arith.divf %add3A, %div3A : vector<400x128xf32>
    %get3A_19 = arith.constant 0 : index
    %get3A_20 = arith.constant 0 : index
    %get3A_21 = vector.load %arg5[%get3A_19, %get3A_20] : memref<128x128xf32, #tpu.memory_space<vmem>>, vector<128x128xf32>
    %dot_general3A = arith.constant dense<0.000000e+00> : vector<400x128xf32>
    %dot_general3A_22 = tpu.matmul %div3A_18, %get3A_21, %dot_general3A {dimension_numbers = #tpu.dot_dimension_numbers<[1], [0], [0], [1], [0, 0, 1, 1], [], []>, transpose_lhs_hint = false} : vector<400x128xf32>, vector<128x128xf32>, vector<400x128xf32> -> vector<400x128xf32>
    %get3A_23 = arith.constant 0 : index
    %get3A_24 = arith.constant 0 : index
    %get3A_25 = vector.load %arg4[%get3A_23, %get3A_24] : memref<400x128xf32, #tpu.memory_space<vmem>>, vector<400x128xf32>
    %get3A_26 = arith.constant 0 : index
    %get3A_27 = arith.constant 0 : index
    %get3A_28 = vector.load %arg6[%get3A_26, %get3A_27] : memref<128x128xf32, #tpu.memory_space<vmem>>, vector<128x128xf32>
    %dot_general3A_29 = arith.constant dense<0.000000e+00> : vector<400x128xf32>
    %dot_general3A_30 = tpu.matmul %get3A_25, %get3A_28, %dot_general3A_29 {dimension_numbers = #tpu.dot_dimension_numbers<[1], [0], [0], [1], [0, 0, 1, 1], [], []>, transpose_lhs_hint = false} : vector<400x128xf32>, vector<128x128xf32>, vector<400x128xf32> -> vector<400x128xf32>
    %add3A_31 = arith.addf %dot_general3A_22, %dot_general3A_30 : vector<400x128xf32>
    %get3A_32 = arith.constant 0 : index
    %get3A_33 = arith.constant 0 : index
    %get3A_34 = vector.load %arg7[%get3A_32, %get3A_33] : memref<1x128xf32, #tpu.memory_space<vmem>>, vector<1x128xf32>
    %add3A_35 = vector.broadcast %get3A_34 : vector<1x128xf32> to vector<400x128xf32>
    %add3A_36 = arith.addf %add3A_31, %add3A_35 : vector<400x128xf32>
    %max3A_37 = arith.constant 0.000000e+00 : f32
    %max3A_38 = vector.broadcast %max3A_37 : f32 to vector<400x128xf32>
    %max3A_39 = arith.maximumf %add3A_36, %max3A_38 : vector<400x128xf32>
    %get3A_40 = arith.constant 0 : index
    %get3A_41 = arith.constant 0 : index
    %get3A_42 = memref.load %arg3[%get3A_40, %get3A_41] : memref<1x2xf32, #tpu.memory_space<smem>>
    %get3A_43 = arith.constant 0 : index
    %get3A_44 = arith.constant 1 : index
    %get3A_45 = memref.load %arg3[%get3A_43, %get3A_44] : memref<1x2xf32, #tpu.memory_space<smem>>
    %add3A_46 = arith.constant 1.000000e+00 : f32
    %add3A_47 = vector.broadcast %add3A_46 : f32 to vector<400x1xf32>
    %add3A_48 = arith.addf %add3A_47, %add3A_15 : vector<400x1xf32>
    %log3A = math.log %add3A_48 : vector<400x1xf32>
    %sub3A = vector.broadcast %get3A_42 : f32 to vector<400x1xf32>
    %sub3A_49 = arith.subf %log3A, %sub3A : vector<400x1xf32>
    %div3A_50 = vector.broadcast %get3A_45 : f32 to vector<400x1xf32>
    %div3A_51 = arith.divf %sub3A_49, %div3A_50 : vector<400x1xf32>
    %swap3A = arith.constant 0 : index
    %swap3A_52 = arith.constant 0 : index
    %swap3A_53 = vector.load %arg8[%swap3A, %swap3A_52] : memref<400x129xf32, #tpu.memory_space<vmem>>, vector<400x1xf32>
    tpu.vector_store %arg8[%swap3A, %swap3A_52], %div3A_51 {strides = array<i32>} : memref<400x129xf32, #tpu.memory_space<vmem>>, vector<400x1xf32>,
    %swap3A_54 = arith.constant 0 : index
    %swap3A_55 = arith.constant 1 : index
    %swap3A_56 = vector.load %arg8[%swap3A_54, %swap3A_55] : memref<400x129xf32, #tpu.memory_space<vmem>>, vector<400x128xf32>
    tpu.vector_store %arg8[%swap3A_54, %swap3A_55], %max3A_39 {strides = array<i32>} : memref<400x129xf32, #tpu.memory_space<vmem>>, vector<400x128xf32>,
    return
  }
  func.func @transform_0(%arg0: i32) -> (i32, i32, i32) {
    %c0_i32 = arith.constant 0 : i32
    %c0_i32_0 = arith.constant 0 : i32
    %c0_i32_1 = arith.constant 0 : i32
    return %c0_i32, %arg0, %c0_i32_0 : i32, i32, i32
  }
  func.func @transform_1(%arg0: i32) -> (i32, i32) {
    %c0_i32 = arith.constant 0 : i32
    %c0_i32_0 = arith.constant 0 : i32
    return %arg0, %c0_i32 : i32, i32
  }
  func.func @transform_2(%arg0: i32) -> (i32, i32) {
    %c0_i32 = arith.constant 0 : i32
    %c0_i32_0 = arith.constant 0 : i32
    %c0_i32_1 = arith.constant 0 : i32
    return %c0_i32, %c0_i32_0 : i32, i32
  }
  func.func @transform_3(%arg0: i32) -> (i32, i32) {
    %c0_i32 = arith.constant 0 : i32
    %c0_i32_0 = arith.constant 0 : i32
    return %arg0, %c0_i32 : i32, i32
  }
  func.func @transform_4(%arg0: i32) -> (i32, i32) {
    %c0_i32 = arith.constant 0 : i32
    %c0_i32_0 = arith.constant 0 : i32
    %c0_i32_1 = arith.constant 0 : i32
    return %c0_i32, %c0_i32_0 : i32, i32
  }
  func.func @transform_5(%arg0: i32) -> (i32, i32) {
    %c0_i32 = arith.constant 0 : i32
    %c0_i32_0 = arith.constant 0 : i32
    %c0_i32_1 = arith.constant 0 : i32
    return %c0_i32, %c0_i32_0 : i32, i32
  }
  func.func @transform_6(%arg0: i32) -> (i32, i32) {
    %c0_i32 = arith.constant 0 : i32
    %c0_i32_0 = arith.constant 0 : i32
    %c0_i32_1 = arith.constant 0 : i32
    return %c0_i32, %c0_i32_0 : i32, i32
  }
  func.func @transform_7(%arg0: i32) -> (i32, i32) {
    %c0_i32 = arith.constant 0 : i32
    %c0_i32_0 = arith.constant 0 : i32
    return %arg0, %c0_i32 : i32, i32
  }
}

</mosaic_0001>

<sc_bundles>
// kernel: kernel.5.cloned.1.call-start
scs
__scs_entry_jumppad:
0x0: {  	(pc) =	sbr.rel $0x88, $3  }
0x1: {  	(tag) =	ssettag $0x0;
	lr =	simm.s32 $0x1  }
0x2: {  	[smem:$0x3F9C] =	sst lr;
	_ =	strace $0xD0000000  }
0x3: {  	_ = 	snop  }
0x4: {  	_ = 	snop  }
0x5: {  	_ = 	snop  }
0x6: {  	_ = 	snop  }
0x7: {  	_ = 	snop  }
__scs_overlays_trampoline_lowered:
0x8: {  	[smem:$0x3FAB] =	sst s0  }
0x9: {  	[smem:$0x3FAC] =	sst s1  }
0xa: {  	[smem:$0x3FAD] =	sst s2  }
0xb: {  	[smem:$0x3FAE] =	sst s3  }
0xc: {  	[smem:$0x3FAF] =	sst s4  }
0xd: {  	[smem:$0x3FB0] =	sst s5  }
0xe: {  	[smem:$0x3FB1] =	sst s6  }
0xf: {  	[smem:$0x3FB2] =	sst s7  }
0x10: {  	[smem:$0x3FB3] =	sst s8  }
0x11: {  	[smem:$0x3FB4] =	sst s9;
	s0 =	simm.s32 @!p0 $0x0  }
0x12: {  	s1 =	sld [smem:$0x3F9A];
	s0 =	simm.s32 @p0 $0x1  }
0x13: {  	[smem:$0x3FB5] =	sst s0;
	s0 =	simm.s32 @!p1 $0x0  }
0x14: {  	s2 =	sld [smem:$0x3F99];
	s0 =	simm.s32 @p1 $0x1  }
0x15: {  	[smem:$0x3FB6] =	sst s0;
	s0 =	simm.s32 @!p2 $0x0  }
0x16: {  	s3 =	sld [smem:$0x3FDB];
	s0 =	simm.s32 @p2 $0x1  }
0x17: {  	s4 =	simm.s32 $0x1BF5;
	[smem:$0x3FB8] =	sst s0  }
0x18: {  	s0 =	sld [smem:$0x3F9B];
	_ =	swait.ge [sflag:s4], $0x0  }
0x19: {  	s7 =	sld [smem:$0x3F9C]  }
0x1a: {  	s8 =	sadd.s32 $0xFFFFE003, lr  }
0x1b: {  	s9 =	sadd.s32 $0xFFFFFEF7, lr;
	s5 =	simm.s32 $0xFFFFFFFF;
	p2 =	slt.u32 s8, $0xFFFFF086  }
0x1c: {  	p1 =	slt.u32 s9, $0xF7A;
	s5 =	simm.s32 @!p2 $0x0  }
0x1d: {  	s5 =	simm.s32 @p1 $0x1;
	p0 =	seq.s32 s7, s2  }
0x1e: {  	s7 =	smul.u32 @!p0 $0xF7A, s2;
	p2 =	seq.s32 @!p0 s5, $0x0  }
0x1f: {  	s9 =	smul.u32 $0xF7A, s1;
	s8 =	simm.s32 @!p0 $0x1BF5;
	p2 =	por !p2, p0  }
0x20: {  	[sflag:s8] =	ssyncset.s32 @!p0 $0xFFFFF086;
	s6 =	sadd.s32 @!p0 s3, s7;
	s7 =	simm.s32 @!p0 $0x108  }
0x21: {  	s3 =	sadd.s32 s3, s9;
	s6 =	sadd.s32 @!p0 $0x88, s6;
	s7 =	simm.s32 @p2 $0x1082  }
0x22: {  	[simem:s7], [sflag:s8] =	dma.local @!p0 [hbm:s6], $0xF7A  }
0x23: {  	s9 =	sor.u32 $0xD0000000, s2;
	s6 =	simm.s32 $0x108;
	_ =	swait.ge @!p0 [sflag:s8], $0x0  }
0x24: {  	s3 =	sadd.s32 $0x88, s3;
	s6 =	simm.s32 @!p1 $0x1082;
	[sflag:s4] =	ssyncset.s32 $0xFFFFF086  }
0x25: {  	[simem:s6], [sflag:s4] =	dma.local [hbm:s3], $0xF7A  }
0x26: {  	[smem:$0x3F9C] =	sst s1;
	(tag) =	ssettag s2;
	_ =	strace s9  }
0x27: {  	s1 =	sld [smem:$0x3FAC]  }
0x28: {  	s2 =	sld [smem:$0x3FAD]  }
0x29: {  	s4 =	sld [smem:$0x3FAF]  }
0x2a: {  	p0 =	seq.s32 s5, $0x0;
	s5 =	sld [smem:$0x3FB0]  }
0x2b: {  	s6 =	sld [smem:$0x3FB1]  }
0x2c: {  	s7 =	sld [smem:$0x3FB2]  }
0x2d: {  	s3 =	simm.s32 $0x108;
	s8 =	sld [smem:$0x3FB3]  }
0x2e: {  	s3 =	simm.s32 @!p0 $0x1082;
	s9 =	sld [smem:$0x3FB4]  }
0x2f: {  	lr =	sadd.s32 s0, s3;
	s0 =	sld [smem:$0x3FAB]  }
0x30: {  	s3 =	sld [smem:$0x3FAE]  }
0x31: {  	[smem:$0x3FB7] =	sst s10  }
0x32: {  	s10 =	sld [smem:$0x3FB5];
	_ =	sdelay $0x3  }
0x33: {  	p0 =	seq.s32 s10, $0x1;
	s10 =	sld [smem:$0x3FB7];
	_ =	sdelay $0x3  }
0x34: {  	[smem:$0x3FB7] =	sst s10  }
0x35: {  	s10 =	sld [smem:$0x3FB6];
	_ =	sdelay $0x3  }
0x36: {  	p1 =	seq.s32 s10, $0x1;
	s10 =	sld [smem:$0x3FB7];
	_ =	sdelay $0x3  }
0x37: {  	[smem:$0x3FB7] =	sst s10  }
0x38: {  	s10 =	sld [smem:$0x3FB8]  }
0x39: {  	_ = 	snop;
	(pc) =	sbr.ind lr, $3  }
0x3a: {  	_ = 	snop  }
0x3b: {  	_ = 	snop  }
0x3c: {  	p2 =	seq.s32 s10, $0x1;
	s10 =	sld [smem:$0x3FB7]  }
0x3d: {  	_ =	shalt  }
0x3e: {  	_ =	shalt  }
0x3f: {  	_ =	shalt  }
0x40: {  	_ =	shalt  }
0x41: {  	_ =	shalt  }
0x42: {  	_ =	shalt  }
0x43: {  	_ =	shalt  }
0x44: {  	_ =	shalt  }
0x45: {  	_ =	shalt  }
0x46: {  	_ =	shalt  }
0x47: {  	_ =	shalt  }
0x48: {  	_ =	shalt  }
0x49: {  	_ =	shalt  }
0x4a: {  	_ =	shalt  }
0x4b: {  	_ =	shalt  }
0x4c: {  	_ =	shalt  }
0x4d: {  	_ =	shalt  }
0x4e: {  	_ =	shalt  }
0x4f: {  	_ =	shalt  }
0x50: {  	_ =	shalt  }
0x51: {  	_ =	shalt  }
0x52: {  	_ =	shalt  }
0x53: {  	_ =	shalt  }
0x54: {  	_ =	shalt  }
0x55: {  	_ =	shalt  }
0x56: {  	_ =	shalt  }
0x57: {  	_ =	shalt  }
0x58: {  	_ =	shalt  }
0x59: {  	_ =	shalt  }
0x5a: {  	_ =	shalt  }
0x5b: {  	_ =	shalt  }
0x5c: {  	_ =	shalt  }
0x5d: {  	_ =	shalt  }
0x5e: {  	_ =	shalt  }
0x5f: {  	_ =	shalt  }
0x60: {  	_ =	shalt  }
0x61: {  	_ =	shalt  }
0x62: {  	_ =	shalt  }
0x63: {  	_ =	shalt  }
0x64: {  	_ =	shalt  }
0x65: {  	_ =	shalt  }
0x66: {  	_ =	shalt  }
0x67: {  	_ =	shalt  }
0x68: {  	_ =	shalt  }
0x69: {  	_ =	shalt  }
0x6a: {  	_ =	shalt  }
0x6b: {  	_ =	shalt  }
0x6c: {  	_ =	shalt  }
0x6d: {  	_ =	shalt  }
0x6e: {  	_ =	shalt  }
0x6f: {  	_ =	shalt  }
0x70: {  	_ =	shalt  }
0x71: {  	_ =	shalt  }
0x72: {  	_ =	shalt  }
0x73: {  	_ =	shalt  }
0x74: {  	_ =	shalt  }
0x75: {  	_ =	shalt  }
0x76: {  	_ =	shalt  }
0x77: {  	_ =	shalt  }
0x78: {  	_ =	shalt  }
0x79: {  	_ =	shalt  }
0x7a: {  	_ =	shalt  }
0x7b: {  	_ =	shalt  }
0x7c: {  	_ =	shalt  }
0x7d: {  	_ =	shalt  }
0x7e: {  	_ =	shalt  }
0x7f: {  	_ =	shalt  }
0x80: {  	_ =	shalt  }
0x81: {  	_ =	shalt  }
0x82: {  	_ =	shalt  }
0x83: {  	_ =	shalt  }
0x84: {  	_ =	shalt  }
0x85: {  	_ =	shalt  }
0x86: {  	_ =	shalt  }
0x87: {  	_ =	shalt  }
.Lfunc_end0:
.L_simem_size_0:
called_computation_lowered:
.L_overlay_start_0:
0x88: {  	s2 =	sld [smem:$0x3FD9]  }
0x89: {  	s3 =	sld [smem:$0x3FFE];
	_ =	sdelay $0x1  }
0x8a: {  	s1 =	srdreg.scid  }
0x8b: {  	s0 =	sand.u32 $0x1, s1  }
0x8c: {  	s17 =	sshll.u32 s0, $0xA;
	s2 =	sadd.s32 s3, s2  }
0x8d: {  	s2 =	sadd.s32 s2, s17  }
0x8e: {  	[smem:$0x3FC3] =	sst s2  }
0x8f: {  	_ = 	snop  }
0x90: {  	s2 =	sld [smem:$0x3FC9]  }
0x91: {  	s18 =	sld [smem:$0x3FD0];
	(tm) =	ssettm $0x1  }
0x92: {  	s4 =	sld [smem:$0x3FFB];
	_ =	sdelay $0x3  }
0x93: {  	_ =	strace s4  }
0x94: {  	s4 =	sld [smem:$0x3FFC];
	_ =	sdelay $0x3  }
0x95: {  	_ =	strace s4  }
0x96: {  	s4 =	sld [smem:$0x3FFD];
	_ =	sdelay $0x3  }
0x97: {  	_ =	strace s4  }
0x98: {  	_ =	strace $0x8FFFFFFF  }
0x99: {  	s19 =	sld [smem:$0x3FDB];
	_ =	sdelay $0x1  }
0x9a: {  	s5 =	simm.s32 $_scs_section_size  }
0x9b: {  	s6 =	simm.s32 $_size__tile_overlayer_lowered;
	s7 =	simm.s32 $_tile_overlayer_lowered  }
0x9c: {  	s22 =	simm.s32 $0x1BFF;
	s21 =	sshll.u32 s7, $0x1;
	s4 =	sadd.s32 s5, s19  }
0x9d: {  	s8 =	simm.s32 $0x0;
	s20 =	sshll.u32 s6, $0x1;
	s6 =	sadd.s32 s21, s4  }
0x9e: {  	[timem:s8], [sflag:s22] =	dma.local [hbm:s6], s20  }
0x9f: {  	_ =	swait.ge [sflag:s22], s20  }
0xa0: {  	s5 =	ssub.s32 $0x0, s20;
	[sflag:s22] =	ssyncset.done $0x0  }
0xa1: {  	[sflag:s22] =	ssyncadd.s32 s5;
	_ =	sdelay $0x1  }
0xa2: {  	s23 =	simm.s32 $0x1B8B  }
0xa3: {  	_ =	swait.ge [sflag:s23], $0x1  }
0xa4: {  	[sflag:s23] =	ssyncset.done $0x0  }
0xa5: {  	s25 =	simm.s32 $0x1B8E;
	s24 =	sld [smem:$0x3FFE];
	[sflag:s23] =	ssyncadd.s32 $0xFFFFFFFF  }
0xa6: {  	s26 =	simm.s32 $execute0_lowered;
	[smem:$0x3FD2] =	sst s25  }
0xa7: {  	s6 =	sshll.u32 s26, $0x1;
	_ =	strace $0x80000046;
	[dreg:$0x1] =	wrdreg $0xFFFFFFFF  }
0xa8: {  	s28 =	simm.s32 $_size_execute0_lowered;
	s4 =	sadd.s32 s4, s6;
	[dreg:$0x0] =	wrdreg $0x0  }
0xa9: {  	s6 =	sshll.u32 s28, $0x1;
	[dreg:$0x2] =	wrdreg s4  }
0xaa: {  	[dreg:$0x3] =	wrdreg s6  }
0xab: {  	[dreg:$0x4] =	wrdreg $0xC0  }
0xac: {  	_ =	task [dreg:s8], $0x5FFFF  }
0xad: {  	[dreg:$0x1] =	wrdreg $0xFFFFFFFF  }
0xae: {  	[dreg:$0x0] =	wrdreg $0x60  }
0xaf: {  	[dreg:$0x2] =	wrdreg s2  }
0xb0: {  	[dreg:$0x3] =	wrdreg s18  }
0xb1: {  	[dreg:$0x4] =	wrdreg s24  }
0xb2: {  	[dreg:$0x5] =	wrdreg $0x90800  }
0xb3: {  	[dreg:$0x6] =	wrdreg $0x1D0800  }
0xb4: {  	[dreg:$0x7] =	wrdreg $0x9  }
0xb5: {  	_ =	task.clear_ibuf [dreg:s8], $0x8FFFF;
	_ =	strace $0x90000046  }
0xb6: {  	s29 =	simm.s32 $0x9;
	_ =	strace $0x80000048  }
0xb7: {  	_ =	swait.ge [sflag:s29], $0x1  }
0xb8: {  	[sflag:s29] =	ssyncadd.s32 $0xFFFFFFFF  }
0xb9: {  	_ =	strace $0x90000048  }
0xba: {  	_ =	sfence  }
0xbb: {  	s30 =	sld [smem:$0x0];
	_ =	sdelay $0x2  }
0xbc: {  	s31 =	sshll.u32 s1, $0xD;
	s1 =	sshrl.u32 s1, $0x2  }
0xbd: {  	s3 =	sand.u32 $0x4000, s31;
	s1 =	sadd.s32 s1, s30  }
0xbe: {  	s0 =	sor.u32 s3, s0;
	s1 =	sshll.u32 s1, $0x11  }
0xbf: {  	s0 =	sor.u32 s1, s0  }
0xc0: {  	s0 =	sadd.s32 $0x8F2B, s0  }
0xc1: {  	[sflag:s0] =	ssyncadd.remote.s32 $0x1  }
0xc2: {  	_ =	sfence.sel $0xFFFF  }
0xc3: {  	[dreg:$0x0] =	wrdreg $0xFFFFFFFF;
	(pc) =	sbr.abs _section_cstart, $3  }
0xc4: {  	[dreg:$0x1] =	wrdreg $0xFFFFFFFF  }
0xc5: {  	_ =	task.clear_ibuf [dreg:s8], $0x2FFFF;
	_ =	strace $0x9FFFFFFF  }
0xc6: {  	(tm) =	ssettm $0x7FFFFFFF  }
0xc7: {  	_ =	shalt  }
tec
execute0_lowered:
.L_overlay_start_1:
0x0: {  	(tag) =	ssettag $0x1  }
0x1: {  	s0 =	rddreg [dreg:$0x0]  }
0x2: {  	s9 =	rddreg [dreg:$0x1]  }
0x3: {  	s8 =	rddreg [dreg:$0x2]  }
0x4: {  	s1 =	srdreg.scid;
	s3 =	rddreg [dreg:$0x3]  }
0x5: {  	s4 =	rddreg [dreg:$0x4];
	s2 =	stileid.u32  }
0x6: {  	s5 =	simm.s32 $0x0;
	s18 =	simm.s32 $0x1;
	s19 =	simm.s32 $0x9000  }
0x7: {  	s10 =	sand.u32 $0x1, s1;
	s1 =	rddreg [dreg:$0x5];
	s15 =	smul.u32 $0x50000, s2  }
0x8: {  	s24 =	simm.s32 $0x0;
	[smem:$0x7FF] =	sst s5;
	s16 =	smul.u32 $0xA00, s2  }
0x9: {  	s7 =	sadd.s32 $0xAE00, s8;
	s30 =	sshll.u32 s2, $0x6;
	s21 =	smul.u32 $0x2800, s2  }
0xa: {  	s23 =	smul.u32 $0xA0, s2;
	s11 =	sshll.u32 s10, $0x4;
	_ =	strace $0x80000047  }
0xb: {  	s13 =	smul.u32 $0x28000, s10;
	s10 =	ssub.s32 $0x2, s10;
	s6 =	sor.u32 s2, s11  }
0xc: {  	s11 =	sadd.s32 s11, s8;
	s28 =	sshrl.u32 s10, $0x1;
	s29 =	sshrl.u32 s15, $0x2  }
0xd: {  	s31 =	sshrl.u32 s16, $0x2;
	s12 =	smul.u32 $0x500, s6;
	s6 =	sadd.s32 $0xB000, s8  }
0xe: {  	s13 =	sadd.s32 s13, s8;
	s17 =	ssub.s32 s10, s28;
	s15 =	sadd.s32 s29, s3  }
0xf: {  	s16 =	sadd.s32 s31, s4;
	s22 =	sadd.s32 $0xD800, s11;
	s20 =	sadd.s32 $0xE200, s13  }
0x10: {  	s11 =	smax.u32 s17, $0x1;
	s13 =	simm.s32 $0x2;
	s17 =	simm.s32 $0x5000  }
0x11: {  	s14 =	sadd.s32 s12, s8;
	s8 =	sor.u32 $0x1C02, s30;
	s9 =	sadd.s32 s9, s12  }
0x12: {  	s12 =	sshrl.u32 s15, $0x3;
	s15 =	simm.s32 $0x2800;
	s20 =	sadd.s32 s21, s20  }
0x13: {  	s21 =	sadd.s32 s23, s22;
	s22 =	simm.s32 $0x20;
	s23 =	simm.s32 $0x10  }
0x14: {  	v0 =	vimm.f32 $1.000000000e+00;
	s10 =	sadd.s32 $0xE00, s14;
	s14 =	sshrl.u32 s16, $0x3;
	s16 =	simm.s32 $0x80  }
.LBB2_1:
0x15: {  	[spmem:s12], [sflag:s8] =	dma.local [hbm:s6], $0x2800  }
0x16: {  	_ =	swait.ge [sflag:s13], $0x2800  }
0x17: {  	[sflag:s13] =	ssyncset.done $0x0  }
0x18: {  	[sflag:s13] =	ssyncadd.s32 $0xFFFFD800  }
0x19: {  	[spmem:s14], [sflag:s8] =	dma.local [hbm:s7], $0x50  }
0x1a: {  	_ =	swait.ge [sflag:s13], $0x50  }
0x1b: {  	[sflag:s13] =	ssyncset.done $0x0  }
0x1c: {  	[sflag:s13] =	ssyncadd.s32 $0xFFFFFFB0  }
0x1d: {  	[tilespmem:$0x9000] =	vst v0  }
0x1e: {  	[tilespmem:$0x9010] =	vst v0  }
0x1f: {  	[tilespmem:$0x9020] =	vst v0  }
0x20: {  	[tilespmem:$0x9030] =	vst v0  }
0x21: {  	[tilespmem:$0x9040] =	vst v0  }
0x22: {  	[tilespmem:$0x9050] =	vst v0  }
0x23: {  	[tilespmem:$0x9060] =	vst v0  }
0x24: {  	[tilespmem:$0x9070] =	vst v0  }
0x25: {  	[tilespmem:s5], [sflag:$0x2] =	stream.linear.gather [hbm4b:s9+s5], $0x2780, $0x38;
	[tilespmem:$0x1D300] =	vst v63  }
0x26: {  	_ =	swait.ge [sflag:s13], $0x2780  }
0x27: {  	[sflag:s13] =	ssyncset.done $0x0  }
0x28: {  	[sflag:s13] =	ssyncadd.s32 $0xFFFFD880  }
0x29: {  	[tilespmem:s15], [sflag:$0x2] =	stream.linear.gather [hbm4b:s10+s5], $0x2780, $0x38;
	[tilespmem:$0x1D300] =	vst v63  }
0x2a: {  	_ =	swait.ge [sflag:s13], $0x2780  }
0x2b: {  	[sflag:s13] =	ssyncset.done $0x0  }
0x2c: {  	[sflag:s13] =	ssyncadd.s32 $0xFFFFD880  }
0x2d: {  	s25 =	simm.s32 $0x0;
	[bflag:$0x0] =	sbarrier.arrive $0xFFFF  }
0x2e: {  	[tilespmem:s17], [sflag:$0x1] =	stream.indirect.gather [hbm4b:s0+s16], $0x80, s25, s16, $0xb8;
	[tilespmem:$0x1D300] =	vst v63  }
0x2f: {  	_ =	swait.ge [sflag:s18], $0x4000  }
0x30: {  	[sflag:s18] =	ssyncset.done $0x0  }
0x31: {  	s31 =	simm.s32 $0x2800;
	[sflag:s18] =	ssyncadd.s32 $0xFFFFC000  }
0x32: {  	[spmem:s3] =	stream.indirect.scatter.add.f32 [tilespmem:s17], [sflag:$0x2], $0x80, s31, s16, $0xb8;
	[tilespmem:$0x1D300] =	vst v63  }
0x33: {  	_ =	swait.ge [sflag:s13], $0x4000  }
0x34: {  	[sflag:s13] =	ssyncset.done $0x0  }
0x35: {  	[sflag:s13] =	ssyncadd.s32 $0xFFFFC000  }
0x36: {  	[spmem:s4] =	stream.indirect.scatter.add.f32 [tilespmem:s19], [sflag:$0x2], $0x1, s31, s16, $0xb8;
	[tilespmem:$0x1D300] =	vst v63  }
0x37: {  	_ =	swait.ge [sflag:s13], $0x80  }
0x38: {  	s26 =	simm.s32 $0x400;
	s25 =	simm.s32 $0x200;
	[sflag:s13] =	ssyncset.done $0x0  }
.LBB2_2:
0x39: {  	s28 =	sshra.s32 s25, $0x2  }
0x3a: {  	[sflag:s13] =	ssyncadd.s32 $0xFFFFFF80;
	s25 =	smov.u32 s26;
	s29 =	sadd.s32 $0x200, s26  }
0x3b: {  	[tilespmem:s17], [sflag:$0x1] =	stream.indirect.gather [hbm4b:s0+s16], $0x80, s28, s16, $0xb8;
	[tilespmem:$0x1D300] =	vst v63  }
0x3c: {  	p0 =	sne.s32 s26, $0x9C00;
	_ =	swait.ge [sflag:s18], $0x4000  }
0x3d: {  	[sflag:s18] =	ssyncset.done $0x0  }
0x3e: {  	s26 =	sadd.s32 $0x2800, s28;
	[sflag:s18] =	ssyncadd.s32 $0xFFFFC000  }
0x3f: {  	[spmem:s3] =	stream.indirect.scatter.add.f32 [tilespmem:s17], [sflag:$0x2], $0x80, s26, s16, $0xb8;
	[tilespmem:$0x1D300] =	vst v63  }
0x40: {  	_ =	swait.ge [sflag:s13], $0x4000  }
.Ltmp0:
0x41: {  	[sflag:s13] =	ssyncset.done $0x0;
	(pc) =	sbr.rel @p0 .LBB2_2-.Ltmp0, $4  }
0x42: {  	[sflag:s13] =	ssyncadd.s32 $0xFFFFC000  }
0x43: {  	[spmem:s4] =	stream.indirect.scatter.add.f32 [tilespmem:s19], [sflag:$0x2], $0x1, s26, s16, $0xb8;
	[tilespmem:$0x1D300] =	vst v63  }
0x44: {  	_ =	swait.ge [sflag:s13], $0x80  }
0x45: {  	s26 =	smov.u32 s29;
	[sflag:s13] =	ssyncset.done $0x0  }
0x46: {  	s25 =	sshra.s32 s25, $0x2;
	[sflag:s13] =	ssyncadd.s32 $0xFFFFFF80  }
0x47: {  	[tilespmem:s17], [sflag:$0x1] =	stream.indirect.gather [hbm4b:s0+s16], $0x80, s25, s16, $0xb8;
	[tilespmem:$0x1D300] =	vst v63  }
0x48: {  	_ =	swait.ge [sflag:s18], $0x4000  }
0x49: {  	[sflag:s18] =	ssyncset.done $0x0  }
0x4a: {  	s25 =	sadd.s32 $0x2800, s25;
	[sflag:s18] =	ssyncadd.s32 $0xFFFFC000  }
0x4b: {  	[spmem:s3] =	stream.indirect.scatter.add.f32 [tilespmem:s17], [sflag:$0x2], $0x80, s25, s16, $0xb8;
	[tilespmem:$0x1D300] =	vst v63  }
0x4c: {  	_ =	swait.ge [sflag:s13], $0x4000  }
0x4d: {  	[sflag:s13] =	ssyncset.done $0x0  }
0x4e: {  	[sflag:s13] =	ssyncadd.s32 $0xFFFFC000  }
0x4f: {  	[spmem:s4] =	stream.indirect.scatter.add.f32 [tilespmem:s19], [sflag:$0x2], $0x1, s25, s16, $0xb8;
	[tilespmem:$0x1D300] =	vst v63  }
0x50: {  	_ =	swait.ge [sflag:s13], $0x80  }
0x51: {  	[sflag:s13] =	ssyncset.done $0x0  }
0x52: {  	[sflag:s13] =	ssyncadd.s32 $0xFFFFFF80  }
0x53: {  	[bflag:$0x0] =	sbarrier.arrive $0xFFFF  }
0x54: {  	[hbm:s20], [sflag:s8] =	dma.local [spmem:s12], $0x2800  }
0x55: {  	s24 =	sadd.s32 $0x1, s24;
	_ =	swait.ge [sflag:s13], $0x2800  }
0x56: {  	p0 =	sne.s32 s24, s11;
	[sflag:s13] =	ssyncset.done $0x0  }
.Ltmp1:
0x57: {  	[sflag:s13] =	ssyncadd.s32 $0xFFFFD800;
	(pc) =	sbr.rel @p0 .LBB2_1-.Ltmp1, $4  }
0x58: {  	[hbm:s21@s22], [sflag:s8] =	dma.strided [spmem:s14@s23], $0x50, s18, $0x10   }
0x59: {  	_ =	swait.ge [sflag:s13], $0x50  }
0x5a: {  	[sflag:s13] =	ssyncset.done $0x0  }
0x5b: {  	[sflag:s13] =	ssyncadd.s32 $0xFFFFFFB0  }
0x5c: {  	_ =	sfence.sel $0x180000  }
0x5d: {  	[bflag:$0x0] =	sbarrier.arrive $0xFFFF  }
0x5e: {  	p0 =	sne.s32 s2, $0x0;
	_ =	strace $0x90000047  }
0x5f: {  	s0 =	sadd.s32 @!p0 $0x100000, s1;
	[bflag:$0x2] =	sbarrier.arrive $0xFFFF  }
0x60: {  	[sflag:s0] =	ssyncadd.tile.s32 @!p0 $0x1;
	_ =	shalt  }
.Lfunc_end2:
_tile_overlayer_lowered:
.L_overlay_start_2:
0x61: {  	(tag) =	ssettag $0x2  }
0x62: {  	s0 =	rddreg [dreg:$0x0];
	s2 =	stileid.u32  }
0x63: {  	s1 =	rddreg [dreg:$0x1];
	p0 =	sne.s32 s2, $0x0  }
0x64: {  	s3 =	rddreg [dreg:$0x2];
	[bflag:$0x3] =	sbarrier.arrive $0xFFFF;
	s2 =	simm.s32 @!p0 $0x1C02  }
0x65: {  	[timem:s3], [sflag:s2] =	dma.local @!p0 [hbm:s0], s1  }
0x66: {  	s0 =	simm.s32 @!p0 $0x2  }
0x67: {  	_ =	swait.ge @!p0 [sflag:s0], s1  }
0x68: {  	s1 =	ssub.s32 @!p0 $0x0, s1;
	[sflag:s0] =	ssyncset.done @!p0 $0x0  }
0x69: {  	[sflag:s0] =	ssyncadd.s32 @!p0 s1  }
0x6a: {  	[bflag:$0x3] =	sbarrier.arrive $0xFFFF  }
0x6b: {  	_ =	shalt  }

</sc_bundles>
